<compile_context>
chip_gen: v7x
topology: tpu7x:2x2x1
jax: 0.10.2.dev20260603
libtpu: 0.0.44.dev20260713+nightly
codegen_flags: <defaults>
</compile_context>

<pallas_src>
import functools

import jax
import jax.numpy as jnp
from jax import lax
from jax.experimental import pallas as pl
from jax.experimental.pallas import tpu as pltpu
from jax.experimental.pallas import tpu_sc as plsc

_NC = 1
_NS = 16
_NW = _NC * _NS
_L = 16

_N = 100000
_NSPEC = 119
_CPW = -(-_N // (_NW * _L)) * _L


@functools.partial(
    pl.kernel,
    mesh=plsc.VectorSubcoreMesh(
        core_axis_name="c", subcore_axis_name="s", num_cores=_NC
    ),
    compiler_params=pltpu.CompilerParams(needs_layout_passes=False),
    out_type=jax.ShapeDtypeStruct((_N,), jnp.float32),
    scratch_types=[
        pltpu.VMEM((_NSPEC,), jnp.float32),
        pltpu.VMEM((_CPW,), jnp.int32),
        pltpu.VMEM((_CPW,), jnp.float32),
        pltpu.SemaphoreType.DMA,
    ],
)
def _rescale(e_hbm, s_hbm, v_hbm, out_hbm, table_v, idx_v, e_v, sem):
    wid = lax.axis_index("s") * _NC + lax.axis_index("c")
    base = jnp.minimum(wid * _CPW, _N - _CPW)
    cp_t = pltpu.async_copy(v_hbm, table_v, sem)
    cp_s = pltpu.async_copy(s_hbm.at[pl.ds(base, _CPW)], idx_v, sem)
    cp_e = pltpu.async_copy(e_hbm.at[pl.ds(base, _CPW)], e_v, sem)
    cp_t.wait()
    cp_s.wait()
    cp_e.wait()

    @plsc.parallel_loop(0, _CPW, step=_L, unroll=8)
    def body(i):
        sl = pl.ds(i, _L)
        g = plsc.load_gather(table_v, [idx_v[sl]])
        e_v[sl] = e_v[sl] + g

    pltpu.sync_copy(e_v, out_hbm.at[pl.ds(base, _CPW)])


def kernel(energies, node_species, values):
    return _rescale(energies, node_species, values)

# --- scband reference (transcript-rebuilt; emitter-appended) ---
"""Pipeline reference for scband-species-wise-rescale-90907277787538 (READ-ONLY COPY).

The authoritative reference and input builder live on the scoring server;
editing this copy changes nothing except your own understanding.
"""

import jax, jax.numpy as jnp
import numpy as np

N_NODES = 100000
N_SPECIES = 119

def setup_inputs(seed: int = 0) -> dict:
    key = jax.random.key(seed)
    k1, k2, k3 = jax.random.split(key, 3)
    energies = jax.random.normal(k1, (N_NODES,), dtype=jnp.float32)
    node_species = jax.random.randint(k2, (N_NODES,), 0, N_SPECIES, dtype=jnp.int32)
    # learned/registered per-species shift table (stands in for the values
    # buffer built from sevennet_stats.json atomic_energies)
    values = jax.random.normal(k3, (N_SPECIES,), dtype=jnp.float32)
    return {"energies": energies, "node_species": node_species, "values": values}

def reference(energies, node_species, values):
    # SpeciesWiseRescale.__call__: energies + values[node_species]
    return energies + jnp.take(values, node_species, axis=0)

if __name__ == "__main__":
    import jax
    _d = setup_inputs()
    print(jax.jit(kernel)(*tuple(_d.values())))

</pallas_src>

<mosaic_0001>
#map = affine_map<(d0, d1) -> (0)>
module attributes {stable_mosaic.version = 14 : i64} {
  func.func @_rescale(%arg0: i32, %arg1: i32, %arg2: memref<100000xf32, #tpu.memory_space<hbm>>, %arg3: memref<100000xi32, #tpu.memory_space<hbm>>, %arg4: memref<119xf32, #tpu.memory_space<hbm>>, %arg5: memref<100000xf32, #tpu.memory_space<hbm>>, %arg6: memref<119xf32, #tpu.memory_space<vmem>>, %arg7: memref<6256xi32, #tpu.memory_space<vmem>>, %arg8: memref<6256xf32, #tpu.memory_space<vmem>>, %arg9: memref<!tpu.dma_semaphore, #tpu.memory_space<semaphore_mem>>) attributes {dimension_semantics = [#tpu.dimension_semantics<core_parallel>, #tpu.dimension_semantics<subcore_parallel>], iteration_bounds = array<i64: 1, 16>, scalar_prefetch = 0 : i64, scratch_operands = 4 : i64, tpu.core_type = #tpu.core_type<sc_vector_subcore>, window_params = [{transform_indices = #map}, {transform_indices = #map}, {transform_indices = #map}, {transform_indices = #map}]} {
    %mul3A = arith.constant 1 : i32
    %mul3A_0 = arith.muli %arg1, %mul3A : i32
    %add3A = arith.addi %mul3A_0, %arg0 : i32
    %mul3A_1 = arith.constant 6256 : i32
    %mul3A_2 = arith.muli %add3A, %mul3A_1 : i32
    %min3A = arith.constant 93744 : i32
    %min3A_3 = arith.minsi %mul3A_2, %min3A : i32
    tpu.enqueue_dma source(%arg4 : memref<119xf32, #tpu.memory_space<hbm>>) target(%arg6 : memref<119xf32, #tpu.memory_space<vmem>>) target_semaphore(%arg9 : memref<!tpu.dma_semaphore, #tpu.memory_space<semaphore_mem>>)
    %dma_start3A = tpu.memref_slice %arg3[%min3A_3] : memref<100000xi32, #tpu.memory_space<hbm>> -> memref<6256xi32, #tpu.memory_space<hbm>>
    %dma_start3A_4 = tpu.memref_slice %arg3[%min3A_3] : memref<100000xi32, #tpu.memory_space<hbm>> -> memref<6256xi32, #tpu.memory_space<hbm>>
    tpu.enqueue_dma source(%dma_start3A_4 : memref<6256xi32, #tpu.memory_space<hbm>>) target(%arg7 : memref<6256xi32, #tpu.memory_space<vmem>>) target_semaphore(%arg9 : memref<!tpu.dma_semaphore, #tpu.memory_space<semaphore_mem>>)
    %dma_start3A_5 = tpu.memref_slice %arg2[%min3A_3] : memref<100000xf32, #tpu.memory_space<hbm>> -> memref<6256xf32, #tpu.memory_space<hbm>>
    %dma_start3A_6 = tpu.memref_slice %arg2[%min3A_3] : memref<100000xf32, #tpu.memory_space<hbm>> -> memref<6256xf32, #tpu.memory_space<hbm>>
    tpu.enqueue_dma source(%dma_start3A_6 : memref<6256xf32, #tpu.memory_space<hbm>>) target(%arg8 : memref<6256xf32, #tpu.memory_space<vmem>>) target_semaphore(%arg9 : memref<!tpu.dma_semaphore, #tpu.memory_space<semaphore_mem>>)
    tpu.wait_dma2 semaphore(%arg9 : memref<!tpu.dma_semaphore, #tpu.memory_space<semaphore_mem>>) src(%arg4 : memref<119xf32, #tpu.memory_space<hbm>>) dst(%arg6 : memref<119xf32, #tpu.memory_space<vmem>>)
    %dma_wait3A = tpu.memref_slice %arg3[%min3A_3] : memref<100000xi32, #tpu.memory_space<hbm>> -> memref<6256xi32, #tpu.memory_space<hbm>>
    %dma_wait3A_7 = tpu.memref_slice %arg3[%min3A_3] : memref<100000xi32, #tpu.memory_space<hbm>> -> memref<6256xi32, #tpu.memory_space<hbm>>
    tpu.wait_dma2 semaphore(%arg9 : memref<!tpu.dma_semaphore, #tpu.memory_space<semaphore_mem>>) src(%dma_wait3A_7 : memref<6256xi32, #tpu.memory_space<hbm>>) dst(%arg7 : memref<6256xi32, #tpu.memory_space<vmem>>)
    %dma_wait3A_8 = tpu.memref_slice %arg2[%min3A_3] : memref<100000xf32, #tpu.memory_space<hbm>> -> memref<6256xf32, #tpu.memory_space<hbm>>
    %dma_wait3A_9 = tpu.memref_slice %arg2[%min3A_3] : memref<100000xf32, #tpu.memory_space<hbm>> -> memref<6256xf32, #tpu.memory_space<hbm>>
    tpu.wait_dma2 semaphore(%arg9 : memref<!tpu.dma_semaphore, #tpu.memory_space<semaphore_mem>>) src(%dma_wait3A_9 : memref<6256xf32, #tpu.memory_space<hbm>>) dst(%arg8 : memref<6256xf32, #tpu.memory_space<vmem>>)
    %parallel_loop3A = arith.constant 0 : i32
    %parallel_loop3A_10 = arith.constant 6256 : i32
    %parallel_loop3A_11 = arith.constant 16 : i32
    scf.for %parallel_loop3A_12 = %parallel_loop3A to %parallel_loop3A_10 step %parallel_loop3A_11  : i32 {
      %parallel_loop3A_13 = arith.index_cast %parallel_loop3A_12 : i32 to index
      %parallel_loop3A_14 = tpu.vector_load %arg7[%parallel_loop3A_13] {strides = array<i32>} : memref<6256xi32, #tpu.memory_space<vmem>>, vector<16xi32>,
      %parallel_loop3A_15 = tpu.vector_load_idx %arg6[%parallel_loop3A_14] : memref<119xf32, #tpu.memory_space<vmem>>[vector<16xi32>], vector<16xf32>,
      %parallel_loop3A_16 = arith.index_cast %parallel_loop3A_12 : i32 to index
      %parallel_loop3A_17 = tpu.vector_load %arg8[%parallel_loop3A_16] {strides = array<i32>} : memref<6256xf32, #tpu.memory_space<vmem>>, vector<16xf32>,
      %parallel_loop3A_18 = arith.addf %parallel_loop3A_17, %parallel_loop3A_15 : vector<16xf32>
      %parallel_loop3A_19 = arith.index_cast %parallel_loop3A_12 : i32 to index
      %parallel_loop3A_20 = tpu.vector_load %arg8[%parallel_loop3A_19] {strides = array<i32>} : memref<6256xf32, #tpu.memory_space<vmem>>, vector<16xf32>,
      tpu.vector_store %arg8[%parallel_loop3A_19], %parallel_loop3A_18 {strides = array<i32>} : memref<6256xf32, #tpu.memory_space<vmem>>, vector<16xf32>,
    } {sc.loop_unroll_factor = 8 : i64, sc.parallel_access}
    "tpu.region"() ({
      %run_scoped3A = tpu.sem_alloc : memref<!tpu.dma_semaphore, #tpu.memory_space<semaphore_mem>>
      %dma_start3A_12 = tpu.memref_slice %arg5[%min3A_3] : memref<100000xf32, #tpu.memory_space<hbm>> -> memref<6256xf32, #tpu.memory_space<hbm>>
      %dma_start3A_13 = tpu.memref_slice %arg5[%min3A_3] : memref<100000xf32, #tpu.memory_space<hbm>> -> memref<6256xf32, #tpu.memory_space<hbm>>
      tpu.enqueue_dma source(%arg8 : memref<6256xf32, #tpu.memory_space<vmem>>) target(%dma_start3A_13 : memref<6256xf32, #tpu.memory_space<hbm>>) target_semaphore(%run_scoped3A : memref<!tpu.dma_semaphore, #tpu.memory_space<semaphore_mem>>)
      %dma_wait3A_14 = tpu.memref_slice %arg5[%min3A_3] : memref<100000xf32, #tpu.memory_space<hbm>> -> memref<6256xf32, #tpu.memory_space<hbm>>
      %dma_wait3A_15 = tpu.memref_slice %arg5[%min3A_3] : memref<100000xf32, #tpu.memory_space<hbm>> -> memref<6256xf32, #tpu.memory_space<hbm>>
      tpu.wait_dma2 semaphore(%run_scoped3A : memref<!tpu.dma_semaphore, #tpu.memory_space<semaphore_mem>>) src(%arg8 : memref<6256xf32, #tpu.memory_space<vmem>>) dst(%dma_wait3A_15 : memref<6256xf32, #tpu.memory_space<hbm>>)
      tpu.yield
    }) : () -> ()
    return
  }
}

</mosaic_0001>

<sc_bundles>
// kernel: kernel.3.cloned.1.call-start
scs
__scs_entry_jumppad:
0x0: {  	(pc) =	sbr.rel $0x88, $3  }
0x1: {  	(tag) =	ssettag $0x0;
	lr =	simm.s32 $0x1  }
0x2: {  	[smem:$0x3F9E] =	sst lr;
	_ =	strace $0xD0000000  }
0x3: {  	_ = 	snop  }
0x4: {  	_ = 	snop  }
0x5: {  	_ = 	snop  }
0x6: {  	_ = 	snop  }
0x7: {  	_ = 	snop  }
__scs_overlays_trampoline_lowered:
0x8: {  	[smem:$0x3FAD] =	sst s0  }
0x9: {  	[smem:$0x3FAE] =	sst s1  }
0xa: {  	[smem:$0x3FAF] =	sst s2  }
0xb: {  	[smem:$0x3FB0] =	sst s3  }
0xc: {  	[smem:$0x3FB1] =	sst s4  }
0xd: {  	[smem:$0x3FB2] =	sst s5  }
0xe: {  	[smem:$0x3FB3] =	sst s6  }
0xf: {  	[smem:$0x3FB4] =	sst s7  }
0x10: {  	[smem:$0x3FB5] =	sst s8  }
0x11: {  	[smem:$0x3FB6] =	sst s9;
	s0 =	simm.s32 @!p0 $0x0  }
0x12: {  	s1 =	sld [smem:$0x3F9C];
	s0 =	simm.s32 @p0 $0x1  }
0x13: {  	[smem:$0x3FB7] =	sst s0;
	s0 =	simm.s32 @!p1 $0x0  }
0x14: {  	s2 =	sld [smem:$0x3F9B];
	s0 =	simm.s32 @p1 $0x1  }
0x15: {  	[smem:$0x3FB8] =	sst s0;
	s0 =	simm.s32 @!p2 $0x0  }
0x16: {  	s3 =	sld [smem:$0x3FDB];
	s0 =	simm.s32 @p2 $0x1  }
0x17: {  	s4 =	simm.s32 $0x1BF5;
	[smem:$0x3FBA] =	sst s0  }
0x18: {  	s0 =	sld [smem:$0x3F9D];
	_ =	swait.ge [sflag:s4], $0x0  }
0x19: {  	s7 =	sld [smem:$0x3F9E]  }
0x1a: {  	s8 =	sadd.s32 $0xFFFFE003, lr  }
0x1b: {  	s9 =	sadd.s32 $0xFFFFFEF7, lr;
	s5 =	simm.s32 $0xFFFFFFFF;
	p2 =	slt.u32 s8, $0xFFFFF086  }
0x1c: {  	p1 =	slt.u32 s9, $0xF7A;
	s5 =	simm.s32 @!p2 $0x0  }
0x1d: {  	s5 =	simm.s32 @p1 $0x1;
	p0 =	seq.s32 s7, s2  }
0x1e: {  	s7 =	smul.u32 @!p0 $0xF7A, s2;
	p2 =	seq.s32 @!p0 s5, $0x0  }
0x1f: {  	s9 =	smul.u32 $0xF7A, s1;
	s8 =	simm.s32 @!p0 $0x1BF5;
	p2 =	por !p2, p0  }
0x20: {  	[sflag:s8] =	ssyncset.s32 @!p0 $0xFFFFF086;
	s6 =	sadd.s32 @!p0 s3, s7;
	s7 =	simm.s32 @!p0 $0x108  }
0x21: {  	s3 =	sadd.s32 s3, s9;
	s6 =	sadd.s32 @!p0 $0x88, s6;
	s7 =	simm.s32 @p2 $0x1082  }
0x22: {  	[simem:s7], [sflag:s8] =	dma.local @!p0 [hbm:s6], $0xF7A  }
0x23: {  	s9 =	sor.u32 $0xD0000000, s2;
	s6 =	simm.s32 $0x108;
	_ =	swait.ge @!p0 [sflag:s8], $0x0  }
0x24: {  	s3 =	sadd.s32 $0x88, s3;
	s6 =	simm.s32 @!p1 $0x1082;
	[sflag:s4] =	ssyncset.s32 $0xFFFFF086  }
0x25: {  	[simem:s6], [sflag:s4] =	dma.local [hbm:s3], $0xF7A  }
0x26: {  	[smem:$0x3F9E] =	sst s1;
	(tag) =	ssettag s2;
	_ =	strace s9  }
0x27: {  	s1 =	sld [smem:$0x3FAE]  }
0x28: {  	s2 =	sld [smem:$0x3FAF]  }
0x29: {  	s4 =	sld [smem:$0x3FB1]  }
0x2a: {  	p0 =	seq.s32 s5, $0x0;
	s5 =	sld [smem:$0x3FB2]  }
0x2b: {  	s6 =	sld [smem:$0x3FB3]  }
0x2c: {  	s7 =	sld [smem:$0x3FB4]  }
0x2d: {  	s3 =	simm.s32 $0x108;
	s8 =	sld [smem:$0x3FB5]  }
0x2e: {  	s3 =	simm.s32 @!p0 $0x1082;
	s9 =	sld [smem:$0x3FB6]  }
0x2f: {  	lr =	sadd.s32 s0, s3;
	s0 =	sld [smem:$0x3FAD]  }
0x30: {  	s3 =	sld [smem:$0x3FB0]  }
0x31: {  	[smem:$0x3FB9] =	sst s10  }
0x32: {  	s10 =	sld [smem:$0x3FB7];
	_ =	sdelay $0x3  }
0x33: {  	p0 =	seq.s32 s10, $0x1;
	s10 =	sld [smem:$0x3FB9];
	_ =	sdelay $0x3  }
0x34: {  	[smem:$0x3FB9] =	sst s10  }
0x35: {  	s10 =	sld [smem:$0x3FB8];
	_ =	sdelay $0x3  }
0x36: {  	p1 =	seq.s32 s10, $0x1;
	s10 =	sld [smem:$0x3FB9];
	_ =	sdelay $0x3  }
0x37: {  	[smem:$0x3FB9] =	sst s10  }
0x38: {  	s10 =	sld [smem:$0x3FBA]  }
0x39: {  	_ = 	snop;
	(pc) =	sbr.ind lr, $3  }
0x3a: {  	_ = 	snop  }
0x3b: {  	_ = 	snop  }
0x3c: {  	p2 =	seq.s32 s10, $0x1;
	s10 =	sld [smem:$0x3FB9]  }
0x3d: {  	_ =	shalt  }
0x3e: {  	_ =	shalt  }
0x3f: {  	_ =	shalt  }
0x40: {  	_ =	shalt  }
0x41: {  	_ =	shalt  }
0x42: {  	_ =	shalt  }
0x43: {  	_ =	shalt  }
0x44: {  	_ =	shalt  }
0x45: {  	_ =	shalt  }
0x46: {  	_ =	shalt  }
0x47: {  	_ =	shalt  }
0x48: {  	_ =	shalt  }
0x49: {  	_ =	shalt  }
0x4a: {  	_ =	shalt  }
0x4b: {  	_ =	shalt  }
0x4c: {  	_ =	shalt  }
0x4d: {  	_ =	shalt  }
0x4e: {  	_ =	shalt  }
0x4f: {  	_ =	shalt  }
0x50: {  	_ =	shalt  }
0x51: {  	_ =	shalt  }
0x52: {  	_ =	shalt  }
0x53: {  	_ =	shalt  }
0x54: {  	_ =	shalt  }
0x55: {  	_ =	shalt  }
0x56: {  	_ =	shalt  }
0x57: {  	_ =	shalt  }
0x58: {  	_ =	shalt  }
0x59: {  	_ =	shalt  }
0x5a: {  	_ =	shalt  }
0x5b: {  	_ =	shalt  }
0x5c: {  	_ =	shalt  }
0x5d: {  	_ =	shalt  }
0x5e: {  	_ =	shalt  }
0x5f: {  	_ =	shalt  }
0x60: {  	_ =	shalt  }
0x61: {  	_ =	shalt  }
0x62: {  	_ =	shalt  }
0x63: {  	_ =	shalt  }
0x64: {  	_ =	shalt  }
0x65: {  	_ =	shalt  }
0x66: {  	_ =	shalt  }
0x67: {  	_ =	shalt  }
0x68: {  	_ =	shalt  }
0x69: {  	_ =	shalt  }
0x6a: {  	_ =	shalt  }
0x6b: {  	_ =	shalt  }
0x6c: {  	_ =	shalt  }
0x6d: {  	_ =	shalt  }
0x6e: {  	_ =	shalt  }
0x6f: {  	_ =	shalt  }
0x70: {  	_ =	shalt  }
0x71: {  	_ =	shalt  }
0x72: {  	_ =	shalt  }
0x73: {  	_ =	shalt  }
0x74: {  	_ =	shalt  }
0x75: {  	_ =	shalt  }
0x76: {  	_ =	shalt  }
0x77: {  	_ =	shalt  }
0x78: {  	_ =	shalt  }
0x79: {  	_ =	shalt  }
0x7a: {  	_ =	shalt  }
0x7b: {  	_ =	shalt  }
0x7c: {  	_ =	shalt  }
0x7d: {  	_ =	shalt  }
0x7e: {  	_ =	shalt  }
0x7f: {  	_ =	shalt  }
0x80: {  	_ =	shalt  }
0x81: {  	_ =	shalt  }
0x82: {  	_ =	shalt  }
0x83: {  	_ =	shalt  }
0x84: {  	_ =	shalt  }
0x85: {  	_ =	shalt  }
0x86: {  	_ =	shalt  }
0x87: {  	_ =	shalt  }
.Lfunc_end0:
.L_simem_size_0:
called_computation_lowered:
.L_overlay_start_0:
0x88: {  	s0 =	sld [smem:$0x3FD9]  }
0x89: {  	s1 =	sld [smem:$0x3FFE];
	_ =	sdelay $0x3  }
0x8a: {  	s0 =	sadd.s32 s1, s0  }
0x8b: {  	[smem:$0x3FC5] =	sst s0  }
0x8c: {  	_ = 	snop  }
0x8d: {  	s0 =	sld [smem:$0x3FC9]  }
0x8e: {  	s17 =	sld [smem:$0x3FC8]  }
0x8f: {  	s2 =	sld [smem:$0x3FC7]  }
0x90: {  	s3 =	sld [smem:$0x3FD0];
	(tm) =	ssettm $0x1  }
0x91: {  	s4 =	sld [smem:$0x3FFB];
	_ =	sdelay $0x3  }
0x92: {  	_ =	strace s4  }
0x93: {  	s4 =	sld [smem:$0x3FFC];
	_ =	sdelay $0x3  }
0x94: {  	_ =	strace s4  }
0x95: {  	s4 =	sld [smem:$0x3FFD];
	_ =	sdelay $0x3  }
0x96: {  	_ =	strace s4  }
0x97: {  	_ =	strace $0x8FFFFFFF  }
0x98: {  	s18 =	sld [smem:$0x3FDB];
	_ =	sdelay $0x1  }
0x99: {  	s5 =	simm.s32 $_scs_section_size  }
0x9a: {  	s6 =	simm.s32 $_size__tile_overlayer_lowered;
	s7 =	simm.s32 $_tile_overlayer_lowered  }
0x9b: {  	s21 =	simm.s32 $0x1BFF;
	s20 =	sshll.u32 s7, $0x1;
	s4 =	sadd.s32 s5, s18  }
0x9c: {  	s8 =	simm.s32 $0x0;
	s19 =	sshll.u32 s6, $0x1;
	s6 =	sadd.s32 s20, s4  }
0x9d: {  	[timem:s8], [sflag:s21] =	dma.local [hbm:s6], s19  }
0x9e: {  	_ =	swait.ge [sflag:s21], s19  }
0x9f: {  	s5 =	ssub.s32 $0x0, s19;
	[sflag:s21] =	ssyncset.done $0x0  }
0xa0: {  	[sflag:s21] =	ssyncadd.s32 s5;
	_ =	sdelay $0x1  }
0xa1: {  	s22 =	simm.s32 $0x1B8B  }
0xa2: {  	_ =	swait.ge [sflag:s22], $0x1  }
0xa3: {  	[sflag:s22] =	ssyncset.done $0x0  }
0xa4: {  	s23 =	simm.s32 $0x1B8E;
	[sflag:s22] =	ssyncadd.s32 $0xFFFFFFFF  }
0xa5: {  	s24 =	simm.s32 $execute0_lowered;
	[smem:$0x3FD2] =	sst s23  }
0xa6: {  	s5 =	sshll.u32 s24, $0x1;
	_ =	strace $0x80000046;
	[dreg:$0x1] =	wrdreg $0xFFFFFFFF  }
0xa7: {  	s25 =	simm.s32 $_size_execute0_lowered;
	s4 =	sadd.s32 s4, s5;
	[dreg:$0x0] =	wrdreg $0x0  }
0xa8: {  	s5 =	sshll.u32 s25, $0x1;
	[dreg:$0x2] =	wrdreg s4  }
0xa9: {  	[dreg:$0x3] =	wrdreg s5  }
0xaa: {  	[dreg:$0x4] =	wrdreg $0xC0  }
0xab: {  	_ =	task [dreg:s8], $0x5FFFF  }
0xac: {  	[dreg:$0x1] =	wrdreg $0xFFFFFFFF  }
0xad: {  	[dreg:$0x0] =	wrdreg $0x60  }
0xae: {  	[dreg:$0x2] =	wrdreg s0  }
0xaf: {  	[dreg:$0x3] =	wrdreg s17  }
0xb0: {  	[dreg:$0x4] =	wrdreg s2  }
0xb1: {  	[dreg:$0x5] =	wrdreg s3  }
0xb2: {  	[dreg:$0x6] =	wrdreg $0x9  }
0xb3: {  	_ =	task.clear_ibuf [dreg:s8], $0x7FFFF;
	_ =	strace $0x90000046  }
0xb4: {  	s26 =	simm.s32 $0x9;
	_ =	strace $0x80000048  }
0xb5: {  	_ =	swait.ge [sflag:s26], $0x1  }
0xb6: {  	[sflag:s26] =	ssyncadd.s32 $0xFFFFFFFF  }
0xb7: {  	_ =	strace $0x90000048  }
0xb8: {  	_ =	sfence  }
0xb9: {  	s28 =	sld [smem:$0x0];
	_ =	sdelay $0x1  }
0xba: {  	s29 =	srdreg.scid  }
0xbb: {  	s30 =	sshll.u32 s29, $0xD;
	s31 =	sshrl.u32 s29, $0x2  }
0xbc: {  	s1 =	sand.u32 $0x1, s29;
	s2 =	sand.u32 $0x4000, s30;
	s0 =	sadd.s32 s31, s28  }
0xbd: {  	s1 =	sor.u32 s2, s1;
	s0 =	sshll.u32 s0, $0x11  }
0xbe: {  	s0 =	sor.u32 s0, s1  }
0xbf: {  	s0 =	sadd.s32 $0x8F2B, s0  }
0xc0: {  	[sflag:s0] =	ssyncadd.remote.s32 $0x1  }
0xc1: {  	_ =	sfence.sel $0xFFFF  }
0xc2: {  	[dreg:$0x0] =	wrdreg $0xFFFFFFFF;
	(pc) =	sbr.abs _section_cstart, $3  }
0xc3: {  	[dreg:$0x1] =	wrdreg $0xFFFFFFFF  }
0xc4: {  	_ =	task.clear_ibuf [dreg:s8], $0x2FFFF;
	_ =	strace $0x9FFFFFFF  }
0xc5: {  	(tm) =	ssettm $0x7FFFFFFF  }
tec
execute0_lowered:
.L_overlay_start_1:
0x0: {  	(tag) =	ssettag $0x1  }
0x1: {  	s5 =	rddreg [dreg:$0x0]  }
0x2: {  	s6 =	rddreg [dreg:$0x1]  }
0x3: {  	s7 =	rddreg [dreg:$0x2];
	s0 =	stileid.u32  }
0x4: {  	s2 =	rddreg [dreg:$0x3];
	s4 =	simm.s32 $0x0;
	s3 =	smul.u32 $0x1870, s0  }
0x5: {  	[smem:$0x7FF] =	sst s4  }
0x6: {  	s1 =	rddreg [dreg:$0x4];
	_ =	strace $0x80000047;
	s3 =	smin.u32 s3, $0x16E30  }
0x7: {  	[tilespmem:s4], [sflag:$0x1] =	stream.linear.gather [hbm4b:s7+s4], $0x80, $0x38;
	[tilespmem:$0x3180] =	vst v63  }
0x8: {  	s3 =	sshrl.u32 s3, $0x3  }
0x9: {  	s28 =	simm.s32 $0x80;
	s6 =	sadd.s32 s6, s3  }
0xa: {  	[tilespmem:s28], [sflag:$0x1] =	stream.linear.gather [hbm4b:s6+s4], $0x1870, $0x38;
	[tilespmem:$0x3180] =	vst v63  }
0xb: {  	s29 =	simm.s32 $0x1900;
	s30 =	simm.s32 $0x1;
	s5 =	sadd.s32 s5, s3  }
0xc: {  	[tilespmem:s29], [sflag:$0x1] =	stream.linear.gather [hbm4b:s5+s4], $0x1870, $0x38;
	[tilespmem:$0x3180] =	vst v63  }
0xd: {  	_ =	swait.ge [sflag:s30], $0x80  }
0xe: {  	[sflag:s30] =	ssyncset.done $0x0  }
0xf: {  	[sflag:s30] =	ssyncadd.s32 $0xFFFFFF80  }
0x10: {  	_ =	swait.ge [sflag:s30], $0x1870  }
0x11: {  	[sflag:s30] =	ssyncset.done $0x0  }
0x12: {  	[sflag:s30] =	ssyncadd.s32 $0xFFFFE790  }
0x13: {  	_ =	swait.ge [sflag:s30], $0x1870  }
0x14: {  	[sflag:s30] =	ssyncset.done $0x0  }
0x15: {  	s31 =	simm.s32 $0xC0;
	[sflag:s30] =	ssyncadd.s32 $0xFFFFE790  }
0x16: {  	v0 =	vld [tilespmem:s31+$0x30]  }
0x17: {  	v1 =	vld [tilespmem:s31+$0xFFFFFFD0]  }
0x18: {  	v2 =	vld [tilespmem:s31+$0xFFFFFFE0]  }
0x19: {  	v3 =	vld [tilespmem:s31+$0xFFFFFFF0]  }
0x1a: {  	v5 =	vld [tilespmem:s31+$0x0]  }
0x1b: {  	v6 =	vld [tilespmem:s31+$0x10]  }
0x1c: {  	v7 =	vld [tilespmem:s31+$0x20]  }
0x1d: {  	s5 =	simm.s32 $0x1940;
	v8 =	vld [tilespmem:s31+$0xFFFFFFC0]  }
0x1e: {  	v11 =	vld [tilespmem:s5+$0x30]  }
0x1f: {  	v14 =	vld [tilespmem:s5+$0xFFFFFFD0]  }
0x20: {  	v9 =	vld [tilespmem:s5+$0xFFFFFFE0]  }
0x21: {  	v10 =	vld.idx.msk [tilespmem:v0+s4+$0x0], $0xffff  }
0x22: {  	v12 =	vld.idx.msk [tilespmem:v1+s4+$0x0], $0xffff  }
0x23: {  	v4 =	vld.idx.msk [tilespmem:v2+s4+$0x0], $0xffff  }
0x24: {  	v3 =	vld.idx.msk [tilespmem:v3+s4+$0x0], $0xffff  }
0x25: {  	v13 =	vld.idx.msk [tilespmem:v8+s4+$0x0], $0xffff  }
0x26: {  	v1 =	vld.idx.msk [tilespmem:v7+s4+$0x0], $0xffff  }
0x27: {  	v7 =	vld [tilespmem:s5+$0xFFFFFFC0]  }
0x28: {  	v2 =	vld.idx.msk [tilespmem:v5+s4+$0x0], $0xffff  }
0x29: {  	v0 =	vld.idx.msk [tilespmem:v6+s4+$0x0], $0xffff  }
0x2a: {  	v8 =	vld [tilespmem:s5+$0xFFFFFFF0]  }
0x2b: {  	v6 =	vld [tilespmem:s5+$0x0];
	v10 =	vadd.f32 v11, v10  }
0x2c: {  	v5 =	vld [tilespmem:s5+$0x10];
	v11 =	vadd.f32 v7, v13  }
0x2d: {  	s7 =	simm.s32 $0x140;
	s6 =	simm.s32 $0x0;
	v7 =	vld [tilespmem:s5+$0x20];
	[tilespmem:s5+$0x30] =	vst v10;
	v10 =	vadd.f32 v14, v12  }
.LBB2_1:
0x2e: {  	v12 =	vld [tilespmem:s7+$0x30];
	s6 =	sadd.s32 $0x80, s6;
	[tilespmem:s5+$0xFFFFFFC0] =	vst v11;
	v4 =	vadd.f32 v9, v4  }
0x2f: {  	v9 =	vld [tilespmem:s7+$0xFFFFFFD0];
	p0 =	slt.u32 s6, $0x1780;
	[tilespmem:s5+$0xFFFFFFD0] =	vst v10;
	v3 =	vadd.f32 v8, v3  }
0x30: {  	v8 =	vld [tilespmem:s7+$0xFFFFFFE0];
	[tilespmem:s5+$0xFFFFFFE0] =	vst v4;
	v2 =	vadd.f32 v6, v2  }
0x31: {  	v6 =	vld [tilespmem:s7+$0xFFFFFFF0];
	[tilespmem:s5+$0xFFFFFFF0] =	vst v3;
	v0 =	vadd.f32 v5, v0  }
0x32: {  	v5 =	vld [tilespmem:s7+$0x0];
	[tilespmem:s5+$0x0] =	vst v2;
	v1 =	vadd.f32 v7, v1  }
0x33: {  	v7 =	vld [tilespmem:s7+$0x10];
	[tilespmem:s5+$0x10] =	vst v0  }
0x34: {  	v10 =	vld [tilespmem:s7+$0x20];
	[tilespmem:s5+$0x20] =	vst v1  }
0x35: {  	v1 =	vld [tilespmem:s7+$0xFFFFFFC0]  }
0x36: {  	s5 =	sadd.s32 $0x80, s5;
	v11 =	vld.idx.msk [tilespmem:v12+s4+$0x0], $0xffff  }
0x37: {  	v12 =	vld [tilespmem:s5+$0x30]  }
0x38: {  	v13 =	vld.idx.msk [tilespmem:v9+s4+$0x0], $0xffff  }
0x39: {  	v4 =	vld.idx.msk [tilespmem:v8+s4+$0x0], $0xffff  }
0x3a: {  	v3 =	vld.idx.msk [tilespmem:v6+s4+$0x0], $0xffff  }
0x3b: {  	v2 =	vld.idx.msk [tilespmem:v5+s4+$0x0], $0xffff  }
0x3c: {  	v0 =	vld.idx.msk [tilespmem:v7+s4+$0x0], $0xffff;
	v5 =	vadd.f32 v12, v11  }
0x3d: {  	v7 =	vld.idx.msk [tilespmem:v1+s4+$0x0], $0xffff  }
0x3e: {  	v1 =	vld.idx.msk [tilespmem:v10+s4+$0x0], $0xffff;
	[tilespmem:s5+$0x30] =	vst v5  }
0x3f: {  	v5 =	vld [tilespmem:s5+$0xFFFFFFC0]  }
0x40: {  	v10 =	vld [tilespmem:s5+$0xFFFFFFD0]  }
.Ltmp0:
0x41: {  	v9 =	vld [tilespmem:s5+$0xFFFFFFE0];
	(pc) =	sbr.rel @p0 .LBB2_1-.Ltmp0, $4  }
0x42: {  	v8 =	vld [tilespmem:s5+$0xFFFFFFF0]  }
0x43: {  	v6 =	vld [tilespmem:s5+$0x0]  }
0x44: {  	v11 =	vadd.f32 v5, v7;
	v5 =	vld [tilespmem:s5+$0x10]  }
0x45: {  	s7 =	sadd.s32 $0x80, s7;
	v10 =	vadd.f32 v10, v13;
	v7 =	vld [tilespmem:s5+$0x20]  }
0x46: {  	[tilespmem:s5+$0xFFFFFFC0] =	vst v11;
	v4 =	vadd.f32 v9, v4  }
0x47: {  	[tilespmem:s5+$0xFFFFFFD0] =	vst v10;
	v3 =	vadd.f32 v8, v3  }
0x48: {  	[tilespmem:s5+$0xFFFFFFE0] =	vst v4;
	v2 =	vadd.f32 v6, v2  }
0x49: {  	[tilespmem:s5+$0xFFFFFFF0] =	vst v3;
	v0 =	vadd.f32 v5, v0  }
0x4a: {  	[tilespmem:s5+$0x0] =	vst v2;
	v1 =	vadd.f32 v7, v1  }
0x4b: {  	s4 =	simm.s32 $0x17F0;
	[tilespmem:s5+$0x10] =	vst v0  }
0x4c: {  	s6 =	simm.s32 $0x1880;
	s7 =	simm.s32 $0x0;
	[tilespmem:s5+$0x20] =	vst v1;
	s5 =	simm.s32 $0x3100  }
.LBB2_3:
0x4d: {  	v0 =	vld [tilespmem:s6+$0x0];
	_ =	sdelay $0x6  }
0x4e: {  	v1 =	vld [tilespmem:s5+$0x0]  }
0x4f: {  	v0 =	vld.idx.msk [tilespmem:v0+s7+$0x0], $0xffff  }
0x50: {  	s4 =	sadd.s32 $0x10, s4  }
0x51: {  	p0 =	slt.u32 s4, $0x1860  }
.Ltmp1:
0x52: {  	_ = 	snop;
	(pc) =	sbr.rel @p0 .LBB2_3-.Ltmp1, $3  }
0x53: {  	_ = 	snop  }
0x54: {  	v0 =	vadd.f32 v1, v0;
	_ =	sdelay $0x1  }
0x55: {  	s6 =	sadd.s32 $0x10, s6;
	[tilespmem:s5+$0x0] =	vst v0;
	s5 =	sadd.s32 $0x10, s5  }
0x56: {  	s2 =	sadd.s32 s2, s3  }
0x57: {  	s30 =	simm.s32 $0x0;
	s4 =	simm.s32 $0x1900;
	s31 =	simm.s32 $0x2  }
0x58: {  	[hbm4b:s2+s30] =	stream.linear.scatter [tilespmem:s4], [sflag:$0x2], $0x1870, $0x38;
	[tilespmem:$0x3180] =	vst v63  }
0x59: {  	_ =	swait.ge [sflag:s31], $0x1870  }
0x5a: {  	[sflag:s31] =	ssyncset.done $0x0  }
0x5b: {  	[sflag:s31] =	ssyncadd.s32 $0xFFFFE790  }
0x5c: {  	_ =	sfence.sel $0x180000  }
0x5d: {  	[bflag:$0x0] =	sbarrier.arrive $0xFFFF  }
0x5e: {  	p0 =	sne.s32 s0, $0x0;
	_ =	strace $0x90000047  }
0x5f: {  	s0 =	sadd.s32 @!p0 $0x100000, s1;
	[bflag:$0x2] =	sbarrier.arrive $0xFFFF  }
0x60: {  	[sflag:s0] =	ssyncadd.tile.s32 @!p0 $0x1;
	_ =	shalt  }
.Lfunc_end2:
_tile_overlayer_lowered:
.L_overlay_start_2:
0x61: {  	(tag) =	ssettag $0x2  }
0x62: {  	s0 =	rddreg [dreg:$0x0];
	s2 =	stileid.u32  }
0x63: {  	s1 =	rddreg [dreg:$0x1];
	p0 =	sne.s32 s2, $0x0  }
0x64: {  	s3 =	rddreg [dreg:$0x2];
	[bflag:$0x3] =	sbarrier.arrive $0xFFFF;
	s2 =	simm.s32 @!p0 $0x1C02  }
0x65: {  	[timem:s3], [sflag:s2] =	dma.local @!p0 [hbm:s0], s1  }
0x66: {  	s0 =	simm.s32 @!p0 $0x2  }
0x67: {  	_ =	swait.ge @!p0 [sflag:s0], s1  }
0x68: {  	s1 =	ssub.s32 @!p0 $0x0, s1;
	[sflag:s0] =	ssyncset.done @!p0 $0x0  }
0x69: {  	[sflag:s0] =	ssyncadd.s32 @!p0 s1  }
0x6a: {  	[bflag:$0x3] =	sbarrier.arrive $0xFFFF  }
0x6b: {  	_ =	shalt  }

</sc_bundles>
